<compile_context>
chip_gen: v7x
topology: tpu7x:2x2x1
jax: 0.10.2.dev20260603
libtpu: 0.0.44.dev20260713+nightly
codegen_flags: <defaults>
</compile_context>

<pallas_src>
import functools

import jax
import jax.numpy as jnp
from jax import lax
from jax.experimental import pallas as pl
from jax.experimental.pallas import tpu as pltpu
from jax.experimental.pallas import tpu_sc as plsc

LANES = 16


@functools.lru_cache(maxsize=None)
def _build(batch: int):
    info = plsc.get_sparse_core_info()
    nc, ns = 1, info.num_subcores
    nw = nc * ns
    assert batch % (8 * nw) == 0, "HBM 1-D slice offsets must be 8-aligned"
    b_per_w = batch // nw

    mesh = plsc.VectorSubcoreMesh(
        core_axis_name="c", subcore_axis_name="s", num_cores=nc
    )

    @functools.partial(
        pl.kernel,
        mesh=mesh,
        out_type=jax.ShapeDtypeStruct((batch,), jnp.float32),
        compiler_params=pltpu.CompilerParams(
            needs_layout_passes=False, use_tc_tiling_on_sc=False
        ),
        scratch_types=[
            pltpu.VMEM((b_per_w,), jnp.int32),
            pltpu.VMEM((b_per_w,), jnp.float32),
            pltpu.VMEM((3, 4), jnp.float32),
            pltpu.VMEM((4, 1), jnp.float32),
            pltpu.VMEM((1,), jnp.float32),
            pltpu.VMEM((LANES,), jnp.float32),
            pltpu.VMEM((LANES,), jnp.float32),
            pltpu.SemaphoreType.DMA,
            pltpu.SemaphoreType.DMA,
        ],
    )
    def sc_kernel(idx_hbm, emb_hbm, w_hbm, b_hbm, out_hbm, idx_v, out_v, e_v, w_v, b_v, prod_v, tbl_v, sem_i, sem_w):
        wid = lax.axis_index("s") * nc + lax.axis_index("c")
        base = wid * b_per_w
        idx_cp = pltpu.async_copy(idx_hbm.at[pl.ds(base, b_per_w)], idx_v, sem_i)
        w_cps = [
            pltpu.async_copy(emb_hbm, e_v, sem_w),
            pltpu.async_copy(w_hbm, w_v, sem_w),
            pltpu.async_copy(b_hbm, b_v, sem_w),
        ]
        for cp in w_cps:
            cp.wait()

        lane = lax.iota(jnp.int32, LANES)
        zero = jnp.zeros((LANES,), jnp.float32)
        zero_i = jnp.zeros((LANES,), jnp.int32)
        row = jnp.minimum(lane >> 2, jnp.full((LANES,), 2, jnp.int32))
        col = lane & jnp.full((LANES,), 3, jnp.int32)
        valid = lane < 12
        ep = jnp.where(valid, plsc.load_gather(e_v, [row, col]), zero)
        wp = jnp.where(valid, plsc.load_gather(w_v, [col, zero_i]), zero)
        bias = plsc.load_gather(b_v, [zero_i])

        prod_v[...] = ep * wp
        seg = jnp.minimum(lane, jnp.full((LANES,), 2, jnp.int32)) * 4
        one_i = jnp.ones((LANES,), jnp.int32)
        sum4 = (
            plsc.load_gather(prod_v, [seg])
            + plsc.load_gather(prod_v, [seg + one_i])
            + plsc.load_gather(prod_v, [seg + 2 * one_i])
            + plsc.load_gather(prod_v, [seg + 3 * one_i])
        )
        one = jnp.ones((LANES,), jnp.float32)
        tbl_v[...] = one / (one + jnp.exp(-(sum4 + bias)))

        def body(j, carry):
            o = j * LANES
            iv = idx_v[pl.ds(o, LANES)]
            out_v[pl.ds(o, LANES)] = plsc.load_gather(tbl_v, [iv])
            return carry

        idx_cp.wait()
        lax.fori_loop(0, b_per_w // LANES, body, 0)
        pltpu.sync_copy(out_v, out_hbm.at[pl.ds(base, b_per_w)])

    return sc_kernel


def kernel(indices, emb_table, W, b):
    out = _build(indices.shape[0])(indices, emb_table, W, b)
    return out.reshape(-1, 1)

# --- scband reference (transcript-rebuilt; emitter-appended) ---
"""Pipeline reference for scband-my-model-87454124082241 (READ-ONLY COPY).

The authoritative reference and input builder live on the scoring server;
editing this copy changes nothing except your own understanding.
"""

import jax, jax.numpy as jnp
import numpy as np

BATCH = 16384
VOCAB = 3
EMBED_DIM = 4

def setup_inputs(seed: int = 0) -> dict:
    key = jax.random.key(seed)
    k1, k2, k3, k4 = jax.random.split(key, 4)
    indices = jax.random.randint(k1, (BATCH,), 0, VOCAB, dtype=jnp.int64 if jax.config.jax_enable_x64 else jnp.int32).astype(jnp.int32)
    emb_table = jax.random.normal(k2, (VOCAB, EMBED_DIM), dtype=jnp.float32)
    W = jax.random.normal(k3, (EMBED_DIM, 1), dtype=jnp.float32) * (1.0 / np.sqrt(EMBED_DIM))
    b = jnp.zeros((1,), dtype=jnp.float32)
    return {"indices": indices, "emb_table": emb_table, "W": W, "b": b}

def reference(indices, emb_table, W, b):
    # DenseFeatures(embedding_column): gather embedding rows by categorical id
    x = jnp.take(emb_table, indices, axis=0)          # [B, 4]
    # Dense(1, activation='sigmoid')
    out = jax.nn.sigmoid(x @ W + b)                    # [B, 1]
    return out

if __name__ == "__main__":
    import jax
    _d = setup_inputs()
    print(jax.jit(kernel)(*tuple(_d.values())))

</pallas_src>

<mosaic_0001>
#map = affine_map<(d0, d1) -> (0)>
#map1 = affine_map<(d0, d1) -> (0, 0)>
module attributes {stable_mosaic.version = 14 : i64} {
  func.func @sc_kernel(%arg0: i32, %arg1: i32, %arg2: memref<16384xi32, #tpu.memory_space<hbm>>, %arg3: memref<3x4xf32, #tpu.memory_space<hbm>>, %arg4: memref<4x1xf32, #tpu.memory_space<hbm>>, %arg5: memref<1xf32, #tpu.memory_space<hbm>>, %arg6: memref<16384xf32, #tpu.memory_space<hbm>>, %arg7: memref<1024xi32, #tpu.memory_space<vmem>>, %arg8: memref<1024xf32, #tpu.memory_space<vmem>>, %arg9: memref<3x4xf32, #tpu.memory_space<vmem>>, %arg10: memref<4x1xf32, #tpu.memory_space<vmem>>, %arg11: memref<1xf32, #tpu.memory_space<vmem>>, %arg12: memref<16xf32, #tpu.memory_space<vmem>>, %arg13: memref<16xf32, #tpu.memory_space<vmem>>, %arg14: memref<!tpu.dma_semaphore, #tpu.memory_space<semaphore_mem>>, %arg15: memref<!tpu.dma_semaphore, #tpu.memory_space<semaphore_mem>>) attributes {dimension_semantics = [#tpu.dimension_semantics<core_parallel>, #tpu.dimension_semantics<subcore_parallel>], iteration_bounds = array<i64: 1, 16>, scalar_prefetch = 0 : i64, scratch_operands = 9 : i64, tpu.core_type = #tpu.core_type<sc_vector_subcore>, window_params = [{transform_indices = #map}, {transform_indices = #map1}, {transform_indices = #map1}, {transform_indices = #map}, {transform_indices = #map}]} {
    %mul3A = arith.constant 1 : i32
    %mul3A_0 = arith.muli %arg1, %mul3A : i32
    %add3A = arith.addi %mul3A_0, %arg0 : i32
    %mul3A_1 = arith.constant 1024 : i32
    %mul3A_2 = arith.muli %add3A, %mul3A_1 : i32
    %dma_start3A = tpu.memref_slice %arg2[%mul3A_2] : memref<16384xi32, #tpu.memory_space<hbm>> -> memref<1024xi32, #tpu.memory_space<hbm>>
    %dma_start3A_3 = tpu.memref_slice %arg2[%mul3A_2] : memref<16384xi32, #tpu.memory_space<hbm>> -> memref<1024xi32, #tpu.memory_space<hbm>>
    tpu.enqueue_dma source(%dma_start3A_3 : memref<1024xi32, #tpu.memory_space<hbm>>) target(%arg7 : memref<1024xi32, #tpu.memory_space<vmem>>) target_semaphore(%arg14 : memref<!tpu.dma_semaphore, #tpu.memory_space<semaphore_mem>>)
    tpu.enqueue_dma source(%arg3 : memref<3x4xf32, #tpu.memory_space<hbm>>) target(%arg9 : memref<3x4xf32, #tpu.memory_space<vmem>>) target_semaphore(%arg15 : memref<!tpu.dma_semaphore, #tpu.memory_space<semaphore_mem>>)
    tpu.enqueue_dma source(%arg4 : memref<4x1xf32, #tpu.memory_space<hbm>>) target(%arg10 : memref<4x1xf32, #tpu.memory_space<vmem>>) target_semaphore(%arg15 : memref<!tpu.dma_semaphore, #tpu.memory_space<semaphore_mem>>)
    tpu.enqueue_dma source(%arg5 : memref<1xf32, #tpu.memory_space<hbm>>) target(%arg11 : memref<1xf32, #tpu.memory_space<vmem>>) target_semaphore(%arg15 : memref<!tpu.dma_semaphore, #tpu.memory_space<semaphore_mem>>)
    tpu.wait_dma2 semaphore(%arg15 : memref<!tpu.dma_semaphore, #tpu.memory_space<semaphore_mem>>) src(%arg3 : memref<3x4xf32, #tpu.memory_space<hbm>>) dst(%arg9 : memref<3x4xf32, #tpu.memory_space<vmem>>)
    tpu.wait_dma2 semaphore(%arg15 : memref<!tpu.dma_semaphore, #tpu.memory_space<semaphore_mem>>) src(%arg4 : memref<4x1xf32, #tpu.memory_space<hbm>>) dst(%arg10 : memref<4x1xf32, #tpu.memory_space<vmem>>)
    tpu.wait_dma2 semaphore(%arg15 : memref<!tpu.dma_semaphore, #tpu.memory_space<semaphore_mem>>) src(%arg5 : memref<1xf32, #tpu.memory_space<hbm>>) dst(%arg11 : memref<1xf32, #tpu.memory_space<vmem>>)
    %iota3A = tpu.iota {dimensions = array<i32: 0>} : vector<16xi32>
    %broadcast_in_dim3A = arith.constant 0.000000e+00 : f32
    %broadcast_in_dim3A_4 = vector.broadcast %broadcast_in_dim3A : f32 to vector<16xf32>
    %broadcast_in_dim3A_5 = arith.constant 0 : i32
    %broadcast_in_dim3A_6 = vector.broadcast %broadcast_in_dim3A_5 : i32 to vector<16xi32>
    %shift_right_arithmetic3A = arith.constant 2 : i32
    %shift_right_arithmetic3A_7 = vector.broadcast %shift_right_arithmetic3A : i32 to vector<16xi32>
    %shift_right_arithmetic3A_8 = arith.shrsi %iota3A, %shift_right_arithmetic3A_7 : vector<16xi32>
    %broadcast_in_dim3A_9 = arith.constant 2 : i32
    %broadcast_in_dim3A_10 = vector.broadcast %broadcast_in_dim3A_9 : i32 to vector<16xi32>
    %min3A = arith.minsi %shift_right_arithmetic3A_8, %broadcast_in_dim3A_10 : vector<16xi32>
    %broadcast_in_dim3A_11 = arith.constant 3 : i32
    %broadcast_in_dim3A_12 = vector.broadcast %broadcast_in_dim3A_11 : i32 to vector<16xi32>
    %and3A = arith.andi %iota3A, %broadcast_in_dim3A_12 : vector<16xi32>
    %lt3A = arith.constant 12 : i32
    %lt3A_13 = vector.broadcast %lt3A : i32 to vector<16xi32>
    %lt3A_14 = arith.cmpi slt, %iota3A, %lt3A_13 : vector<16xi32>
    %gather3A = tpu.vector_load_idx %arg9[%min3A, %and3A] : memref<3x4xf32, #tpu.memory_space<vmem>>[vector<16xi32>, vector<16xi32>], vector<16xf32>,
    %select_n3A = arith.select %lt3A_14, %gather3A, %broadcast_in_dim3A_4 : vector<16xi1>, vector<16xf32>
    %gather3A_15 = tpu.vector_load_idx %arg10[%and3A, %broadcast_in_dim3A_6] : memref<4x1xf32, #tpu.memory_space<vmem>>[vector<16xi32>, vector<16xi32>], vector<16xf32>,
    %select_n3A_16 = arith.select %lt3A_14, %gather3A_15, %broadcast_in_dim3A_4 : vector<16xi1>, vector<16xf32>
    %gather3A_17 = tpu.vector_load_idx %arg11[%broadcast_in_dim3A_6] : memref<1xf32, #tpu.memory_space<vmem>>[vector<16xi32>], vector<16xf32>,
    %mul3A_18 = arith.mulf %select_n3A, %select_n3A_16 : vector<16xf32>
    %swap3A = arith.constant 0 : index
    %swap3A_19 = tpu.vector_load %arg12[%swap3A] {strides = array<i32>} : memref<16xf32, #tpu.memory_space<vmem>>, vector<16xf32>,
    tpu.vector_store %arg12[%swap3A], %mul3A_18 {strides = array<i32>} : memref<16xf32, #tpu.memory_space<vmem>>, vector<16xf32>,
    %broadcast_in_dim3A_20 = arith.constant 2 : i32
    %broadcast_in_dim3A_21 = vector.broadcast %broadcast_in_dim3A_20 : i32 to vector<16xi32>
    %min3A_22 = arith.minsi %iota3A, %broadcast_in_dim3A_21 : vector<16xi32>
    %mul3A_23 = arith.constant 4 : i32
    %mul3A_24 = vector.broadcast %mul3A_23 : i32 to vector<16xi32>
    %mul3A_25 = arith.muli %min3A_22, %mul3A_24 : vector<16xi32>
    %broadcast_in_dim3A_26 = arith.constant 1 : i32
    %broadcast_in_dim3A_27 = vector.broadcast %broadcast_in_dim3A_26 : i32 to vector<16xi32>
    %gather3A_28 = tpu.vector_load_idx %arg12[%mul3A_25] : memref<16xf32, #tpu.memory_space<vmem>>[vector<16xi32>], vector<16xf32>,
    %add3A_29 = arith.addi %mul3A_25, %broadcast_in_dim3A_27 : vector<16xi32>
    %gather3A_30 = tpu.vector_load_idx %arg12[%add3A_29] : memref<16xf32, #tpu.memory_space<vmem>>[vector<16xi32>], vector<16xf32>,
    %add3A_31 = arith.addf %gather3A_28, %gather3A_30 : vector<16xf32>
    %mul3A_32 = arith.constant 2 : i32
    %mul3A_33 = vector.broadcast %mul3A_32 : i32 to vector<16xi32>
    %mul3A_34 = arith.muli %mul3A_33, %broadcast_in_dim3A_27 : vector<16xi32>
    %add3A_35 = arith.addi %mul3A_25, %mul3A_34 : vector<16xi32>
    %gather3A_36 = tpu.vector_load_idx %arg12[%add3A_35] : memref<16xf32, #tpu.memory_space<vmem>>[vector<16xi32>], vector<16xf32>,
    %add3A_37 = arith.addf %add3A_31, %gather3A_36 : vector<16xf32>
    %mul3A_38 = arith.constant 3 : i32
    %mul3A_39 = vector.broadcast %mul3A_38 : i32 to vector<16xi32>
    %mul3A_40 = arith.muli %mul3A_39, %broadcast_in_dim3A_27 : vector<16xi32>
    %add3A_41 = arith.addi %mul3A_25, %mul3A_40 : vector<16xi32>
    %gather3A_42 = tpu.vector_load_idx %arg12[%add3A_41] : memref<16xf32, #tpu.memory_space<vmem>>[vector<16xi32>], vector<16xf32>,
    %add3A_43 = arith.addf %add3A_37, %gather3A_42 : vector<16xf32>
    %broadcast_in_dim3A_44 = arith.constant 1.000000e+00 : f32
    %broadcast_in_dim3A_45 = vector.broadcast %broadcast_in_dim3A_44 : f32 to vector<16xf32>
    %add3A_46 = arith.addf %add3A_43, %gather3A_17 : vector<16xf32>
    %neg3A = arith.constant 0.000000e+00 : f32
    %neg3A_47 = vector.broadcast %neg3A : f32 to vector<16xf32>
    %neg3A_48 = arith.subf %neg3A_47, %add3A_46 : vector<16xf32>
    %exp3A = math.exp %neg3A_48 : vector<16xf32>
    %add3A_49 = arith.addf %broadcast_in_dim3A_45, %exp3A : vector<16xf32>
    %div3A = arith.divf %broadcast_in_dim3A_45, %add3A_49 : vector<16xf32>
    %swap3A_50 = arith.constant 0 : index
    %swap3A_51 = tpu.vector_load %arg13[%swap3A_50] {strides = array<i32>} : memref<16xf32, #tpu.memory_space<vmem>>, vector<16xf32>,
    tpu.vector_store %arg13[%swap3A_50], %div3A {strides = array<i32>} : memref<16xf32, #tpu.memory_space<vmem>>, vector<16xf32>,
    %dma_wait3A = tpu.memref_slice %arg2[%mul3A_2] : memref<16384xi32, #tpu.memory_space<hbm>> -> memref<1024xi32, #tpu.memory_space<hbm>>
    %dma_wait3A_52 = tpu.memref_slice %arg2[%mul3A_2] : memref<16384xi32, #tpu.memory_space<hbm>> -> memref<1024xi32, #tpu.memory_space<hbm>>
    tpu.wait_dma2 semaphore(%arg14 : memref<!tpu.dma_semaphore, #tpu.memory_space<semaphore_mem>>) src(%dma_wait3A_52 : memref<1024xi32, #tpu.memory_space<hbm>>) dst(%arg7 : memref<1024xi32, #tpu.memory_space<vmem>>)
    %scan3A = arith.constant 0 : i32
    %scan3A_53 = arith.constant 0 : i32
    %scan3A_54 = arith.constant 64 : i32
    %scan3A_55 = arith.addi %scan3A_53, %scan3A_54 : i32
    %scan3A_56 = arith.constant 1 : i32
    scf.for %scan3A_58 = %scan3A_53 to %scan3A_55 step %scan3A_56  : i32 {
      %mul3A_59 = arith.constant 16 : i32
      %mul3A_60 = arith.muli %scan3A_58, %mul3A_59 : i32
      %get3A = arith.index_cast %mul3A_60 : i32 to index
      %get3A_61 = tpu.vector_load %arg7[%get3A] {strides = array<i32>} : memref<1024xi32, #tpu.memory_space<vmem>>, vector<16xi32>,
      %gather3A_62 = tpu.vector_load_idx %arg13[%get3A_61] : memref<16xf32, #tpu.memory_space<vmem>>[vector<16xi32>], vector<16xf32>,
      %swap3A_63 = arith.index_cast %mul3A_60 : i32 to index
      %swap3A_64 = tpu.vector_load %arg8[%swap3A_63] {strides = array<i32>} : memref<1024xf32, #tpu.memory_space<vmem>>, vector<16xf32>,
      tpu.vector_store %arg8[%swap3A_63], %gather3A_62 {strides = array<i32>} : memref<1024xf32, #tpu.memory_space<vmem>>, vector<16xf32>,
    }
    %scan3A_57 = arith.constant 64 : i32
    "tpu.region"() ({
      %run_scoped3A = tpu.sem_alloc : memref<!tpu.dma_semaphore, #tpu.memory_space<semaphore_mem>>
      %dma_start3A_58 = tpu.memref_slice %arg6[%mul3A_2] : memref<16384xf32, #tpu.memory_space<hbm>> -> memref<1024xf32, #tpu.memory_space<hbm>>
      %dma_start3A_59 = tpu.memref_slice %arg6[%mul3A_2] : memref<16384xf32, #tpu.memory_space<hbm>> -> memref<1024xf32, #tpu.memory_space<hbm>>
      tpu.enqueue_dma source(%arg8 : memref<1024xf32, #tpu.memory_space<vmem>>) target(%dma_start3A_59 : memref<1024xf32, #tpu.memory_space<hbm>>) target_semaphore(%run_scoped3A : memref<!tpu.dma_semaphore, #tpu.memory_space<semaphore_mem>>)
      %dma_wait3A_60 = tpu.memref_slice %arg6[%mul3A_2] : memref<16384xf32, #tpu.memory_space<hbm>> -> memref<1024xf32, #tpu.memory_space<hbm>>
      %dma_wait3A_61 = tpu.memref_slice %arg6[%mul3A_2] : memref<16384xf32, #tpu.memory_space<hbm>> -> memref<1024xf32, #tpu.memory_space<hbm>>
      tpu.wait_dma2 semaphore(%run_scoped3A : memref<!tpu.dma_semaphore, #tpu.memory_space<semaphore_mem>>) src(%arg8 : memref<1024xf32, #tpu.memory_space<vmem>>) dst(%dma_wait3A_61 : memref<1024xf32, #tpu.memory_space<hbm>>)
      tpu.yield
    }) : () -> ()
    return
  }
}

</mosaic_0001>

<sc_bundles>
// kernel: kernel.3.cloned.1.call-start
scs
__scs_entry_jumppad:
0x0: {  	(pc) =	sbr.rel $0x88, $3  }
0x1: {  	(tag) =	ssettag $0x0;
	lr =	simm.s32 $0x1  }
0x2: {  	[smem:$0x3F9D] =	sst lr;
	_ =	strace $0xD0000000  }
0x3: {  	_ = 	snop  }
0x4: {  	_ = 	snop  }
0x5: {  	_ = 	snop  }
0x6: {  	_ = 	snop  }
0x7: {  	_ = 	snop  }
__scs_overlays_trampoline_lowered:
0x8: {  	[smem:$0x3FAC] =	sst s0  }
0x9: {  	[smem:$0x3FAD] =	sst s1  }
0xa: {  	[smem:$0x3FAE] =	sst s2  }
0xb: {  	[smem:$0x3FAF] =	sst s3  }
0xc: {  	[smem:$0x3FB0] =	sst s4  }
0xd: {  	[smem:$0x3FB1] =	sst s5  }
0xe: {  	[smem:$0x3FB2] =	sst s6  }
0xf: {  	[smem:$0x3FB3] =	sst s7  }
0x10: {  	[smem:$0x3FB4] =	sst s8  }
0x11: {  	[smem:$0x3FB5] =	sst s9;
	s0 =	simm.s32 @!p0 $0x0  }
0x12: {  	s1 =	sld [smem:$0x3F9B];
	s0 =	simm.s32 @p0 $0x1  }
0x13: {  	[smem:$0x3FB6] =	sst s0;
	s0 =	simm.s32 @!p1 $0x0  }
0x14: {  	s2 =	sld [smem:$0x3F9A];
	s0 =	simm.s32 @p1 $0x1  }
0x15: {  	[smem:$0x3FB7] =	sst s0;
	s0 =	simm.s32 @!p2 $0x0  }
0x16: {  	s3 =	sld [smem:$0x3FDB];
	s0 =	simm.s32 @p2 $0x1  }
0x17: {  	s4 =	simm.s32 $0x1BF5;
	[smem:$0x3FB9] =	sst s0  }
0x18: {  	s0 =	sld [smem:$0x3F9C];
	_ =	swait.ge [sflag:s4], $0x0  }
0x19: {  	s7 =	sld [smem:$0x3F9D]  }
0x1a: {  	s8 =	sadd.s32 $0xFFFFE003, lr  }
0x1b: {  	s9 =	sadd.s32 $0xFFFFFEF7, lr;
	s5 =	simm.s32 $0xFFFFFFFF;
	p2 =	slt.u32 s8, $0xFFFFF086  }
0x1c: {  	p1 =	slt.u32 s9, $0xF7A;
	s5 =	simm.s32 @!p2 $0x0  }
0x1d: {  	s5 =	simm.s32 @p1 $0x1;
	p0 =	seq.s32 s7, s2  }
0x1e: {  	s7 =	smul.u32 @!p0 $0xF7A, s2;
	p2 =	seq.s32 @!p0 s5, $0x0  }
0x1f: {  	s9 =	smul.u32 $0xF7A, s1;
	s8 =	simm.s32 @!p0 $0x1BF5;
	p2 =	por !p2, p0  }
0x20: {  	[sflag:s8] =	ssyncset.s32 @!p0 $0xFFFFF086;
	s6 =	sadd.s32 @!p0 s3, s7;
	s7 =	simm.s32 @!p0 $0x108  }
0x21: {  	s3 =	sadd.s32 s3, s9;
	s6 =	sadd.s32 @!p0 $0x88, s6;
	s7 =	simm.s32 @p2 $0x1082  }
0x22: {  	[simem:s7], [sflag:s8] =	dma.local @!p0 [hbm:s6], $0xF7A  }
0x23: {  	s9 =	sor.u32 $0xD0000000, s2;
	s6 =	simm.s32 $0x108;
	_ =	swait.ge @!p0 [sflag:s8], $0x0  }
0x24: {  	s3 =	sadd.s32 $0x88, s3;
	s6 =	simm.s32 @!p1 $0x1082;
	[sflag:s4] =	ssyncset.s32 $0xFFFFF086  }
0x25: {  	[simem:s6], [sflag:s4] =	dma.local [hbm:s3], $0xF7A  }
0x26: {  	[smem:$0x3F9D] =	sst s1;
	(tag) =	ssettag s2;
	_ =	strace s9  }
0x27: {  	s1 =	sld [smem:$0x3FAD]  }
0x28: {  	s2 =	sld [smem:$0x3FAE]  }
0x29: {  	s4 =	sld [smem:$0x3FB0]  }
0x2a: {  	p0 =	seq.s32 s5, $0x0;
	s5 =	sld [smem:$0x3FB1]  }
0x2b: {  	s6 =	sld [smem:$0x3FB2]  }
0x2c: {  	s7 =	sld [smem:$0x3FB3]  }
0x2d: {  	s3 =	simm.s32 $0x108;
	s8 =	sld [smem:$0x3FB4]  }
0x2e: {  	s3 =	simm.s32 @!p0 $0x1082;
	s9 =	sld [smem:$0x3FB5]  }
0x2f: {  	lr =	sadd.s32 s0, s3;
	s0 =	sld [smem:$0x3FAC]  }
0x30: {  	s3 =	sld [smem:$0x3FAF]  }
0x31: {  	[smem:$0x3FB8] =	sst s10  }
0x32: {  	s10 =	sld [smem:$0x3FB6];
	_ =	sdelay $0x3  }
0x33: {  	p0 =	seq.s32 s10, $0x1;
	s10 =	sld [smem:$0x3FB8];
	_ =	sdelay $0x3  }
0x34: {  	[smem:$0x3FB8] =	sst s10  }
0x35: {  	s10 =	sld [smem:$0x3FB7];
	_ =	sdelay $0x3  }
0x36: {  	p1 =	seq.s32 s10, $0x1;
	s10 =	sld [smem:$0x3FB8];
	_ =	sdelay $0x3  }
0x37: {  	[smem:$0x3FB8] =	sst s10  }
0x38: {  	s10 =	sld [smem:$0x3FB9]  }
0x39: {  	_ = 	snop;
	(pc) =	sbr.ind lr, $3  }
0x3a: {  	_ = 	snop  }
0x3b: {  	_ = 	snop  }
0x3c: {  	p2 =	seq.s32 s10, $0x1;
	s10 =	sld [smem:$0x3FB8]  }
0x3d: {  	_ =	shalt  }
0x3e: {  	_ =	shalt  }
0x3f: {  	_ =	shalt  }
0x40: {  	_ =	shalt  }
0x41: {  	_ =	shalt  }
0x42: {  	_ =	shalt  }
0x43: {  	_ =	shalt  }
0x44: {  	_ =	shalt  }
0x45: {  	_ =	shalt  }
0x46: {  	_ =	shalt  }
0x47: {  	_ =	shalt  }
0x48: {  	_ =	shalt  }
0x49: {  	_ =	shalt  }
0x4a: {  	_ =	shalt  }
0x4b: {  	_ =	shalt  }
0x4c: {  	_ =	shalt  }
0x4d: {  	_ =	shalt  }
0x4e: {  	_ =	shalt  }
0x4f: {  	_ =	shalt  }
0x50: {  	_ =	shalt  }
0x51: {  	_ =	shalt  }
0x52: {  	_ =	shalt  }
0x53: {  	_ =	shalt  }
0x54: {  	_ =	shalt  }
0x55: {  	_ =	shalt  }
0x56: {  	_ =	shalt  }
0x57: {  	_ =	shalt  }
0x58: {  	_ =	shalt  }
0x59: {  	_ =	shalt  }
0x5a: {  	_ =	shalt  }
0x5b: {  	_ =	shalt  }
0x5c: {  	_ =	shalt  }
0x5d: {  	_ =	shalt  }
0x5e: {  	_ =	shalt  }
0x5f: {  	_ =	shalt  }
0x60: {  	_ =	shalt  }
0x61: {  	_ =	shalt  }
0x62: {  	_ =	shalt  }
0x63: {  	_ =	shalt  }
0x64: {  	_ =	shalt  }
0x65: {  	_ =	shalt  }
0x66: {  	_ =	shalt  }
0x67: {  	_ =	shalt  }
0x68: {  	_ =	shalt  }
0x69: {  	_ =	shalt  }
0x6a: {  	_ =	shalt  }
0x6b: {  	_ =	shalt  }
0x6c: {  	_ =	shalt  }
0x6d: {  	_ =	shalt  }
0x6e: {  	_ =	shalt  }
0x6f: {  	_ =	shalt  }
0x70: {  	_ =	shalt  }
0x71: {  	_ =	shalt  }
0x72: {  	_ =	shalt  }
0x73: {  	_ =	shalt  }
0x74: {  	_ =	shalt  }
0x75: {  	_ =	shalt  }
0x76: {  	_ =	shalt  }
0x77: {  	_ =	shalt  }
0x78: {  	_ =	shalt  }
0x79: {  	_ =	shalt  }
0x7a: {  	_ =	shalt  }
0x7b: {  	_ =	shalt  }
0x7c: {  	_ =	shalt  }
0x7d: {  	_ =	shalt  }
0x7e: {  	_ =	shalt  }
0x7f: {  	_ =	shalt  }
0x80: {  	_ =	shalt  }
0x81: {  	_ =	shalt  }
0x82: {  	_ =	shalt  }
0x83: {  	_ =	shalt  }
0x84: {  	_ =	shalt  }
0x85: {  	_ =	shalt  }
0x86: {  	_ =	shalt  }
0x87: {  	_ =	shalt  }
.Lfunc_end0:
.L_simem_size_0:
called_computation_lowered:
.L_overlay_start_0:
0x88: {  	s0 =	sld [smem:$0x3FD9]  }
0x89: {  	s1 =	sld [smem:$0x3FFE];
	_ =	sdelay $0x3  }
0x8a: {  	s0 =	sadd.s32 s1, s0  }
0x8b: {  	[smem:$0x3FC4] =	sst s0  }
0x8c: {  	_ = 	snop  }
0x8d: {  	s0 =	sld [smem:$0x3FC9]  }
0x8e: {  	s16 =	sld [smem:$0x3FC6]  }
0x8f: {  	s2 =	sld [smem:$0x3FD0];
	(tm) =	ssettm $0x1  }
0x90: {  	s3 =	sld [smem:$0x3FFB];
	_ =	sdelay $0x3  }
0x91: {  	_ =	strace s3  }
0x92: {  	s3 =	sld [smem:$0x3FFC];
	_ =	sdelay $0x3  }
0x93: {  	_ =	strace s3  }
0x94: {  	s3 =	sld [smem:$0x3FFD];
	_ =	sdelay $0x3  }
0x95: {  	_ =	strace s3  }
0x96: {  	_ =	strace $0x8FFFFFFF  }
0x97: {  	s17 =	sld [smem:$0x3FDB];
	_ =	sdelay $0x1  }
0x98: {  	s4 =	simm.s32 $_scs_section_size  }
0x99: {  	s5 =	simm.s32 $_size__tile_overlayer_lowered;
	s6 =	simm.s32 $_tile_overlayer_lowered  }
0x9a: {  	s20 =	simm.s32 $0x1BFF;
	s19 =	sshll.u32 s6, $0x1;
	s3 =	sadd.s32 s4, s17  }
0x9b: {  	s7 =	simm.s32 $0x0;
	s18 =	sshll.u32 s5, $0x1;
	s5 =	sadd.s32 s19, s3  }
0x9c: {  	[timem:s7], [sflag:s20] =	dma.local [hbm:s5], s18  }
0x9d: {  	_ =	swait.ge [sflag:s20], s18  }
0x9e: {  	s4 =	ssub.s32 $0x0, s18;
	[sflag:s20] =	ssyncset.done $0x0  }
0x9f: {  	[sflag:s20] =	ssyncadd.s32 s4;
	_ =	sdelay $0x1  }
0xa0: {  	s21 =	simm.s32 $0x1B8B  }
0xa1: {  	_ =	swait.ge [sflag:s21], $0x1  }
0xa2: {  	[sflag:s21] =	ssyncset.done $0x0  }
0xa3: {  	s23 =	simm.s32 $0x1B8E;
	s22 =	sld [smem:$0x3FFE];
	[sflag:s21] =	ssyncadd.s32 $0xFFFFFFFF  }
0xa4: {  	s24 =	simm.s32 $execute0_lowered;
	[smem:$0x3FD2] =	sst s23  }
0xa5: {  	s5 =	sshll.u32 s24, $0x1;
	_ =	strace $0x80000046;
	[dreg:$0x1] =	wrdreg $0xFFFFFFFF  }
0xa6: {  	s25 =	simm.s32 $_size_execute0_lowered;
	s3 =	sadd.s32 s3, s5;
	[dreg:$0x0] =	wrdreg $0x0  }
0xa7: {  	s5 =	sshll.u32 s25, $0x1;
	[dreg:$0x2] =	wrdreg s3  }
0xa8: {  	[dreg:$0x3] =	wrdreg s5  }
0xa9: {  	[dreg:$0x4] =	wrdreg $0xC0  }
0xaa: {  	_ =	task [dreg:s7], $0x5FFFF  }
0xab: {  	[dreg:$0x1] =	wrdreg $0xFFFFFFFF  }
0xac: {  	[dreg:$0x0] =	wrdreg $0x60  }
0xad: {  	[dreg:$0x2] =	wrdreg s0  }
0xae: {  	[dreg:$0x3] =	wrdreg s22  }
0xaf: {  	[dreg:$0x4] =	wrdreg s16  }
0xb0: {  	[dreg:$0x5] =	wrdreg s2  }
0xb1: {  	[dreg:$0x6] =	wrdreg $0x9  }
0xb2: {  	_ =	task.clear_ibuf [dreg:s7], $0x7FFFF;
	_ =	strace $0x90000046  }
0xb3: {  	s26 =	simm.s32 $0x9;
	_ =	strace $0x80000048  }
0xb4: {  	_ =	swait.ge [sflag:s26], $0x1  }
0xb5: {  	[sflag:s26] =	ssyncadd.s32 $0xFFFFFFFF  }
0xb6: {  	_ =	strace $0x90000048  }
0xb7: {  	_ =	sfence  }
0xb8: {  	s28 =	sld [smem:$0x0];
	_ =	sdelay $0x1  }
0xb9: {  	s29 =	srdreg.scid  }
0xba: {  	s30 =	sshll.u32 s29, $0xD;
	s31 =	sshrl.u32 s29, $0x2  }
0xbb: {  	s1 =	sand.u32 $0x1, s29;
	s2 =	sand.u32 $0x4000, s30;
	s0 =	sadd.s32 s31, s28  }
0xbc: {  	s1 =	sor.u32 s2, s1;
	s0 =	sshll.u32 s0, $0x11  }
0xbd: {  	s0 =	sor.u32 s0, s1  }
0xbe: {  	s0 =	sadd.s32 $0x8F2B, s0  }
0xbf: {  	[sflag:s0] =	ssyncadd.remote.s32 $0x1  }
0xc0: {  	_ =	sfence.sel $0xFFFF  }
0xc1: {  	[dreg:$0x0] =	wrdreg $0xFFFFFFFF;
	(pc) =	sbr.abs _section_cstart, $3  }
0xc2: {  	[dreg:$0x1] =	wrdreg $0xFFFFFFFF  }
0xc3: {  	_ =	task.clear_ibuf [dreg:s7], $0x2FFFF;
	_ =	strace $0x9FFFFFFF  }
0xc4: {  	(tm) =	ssettm $0x7FFFFFFF  }
0xc5: {  	_ =	shalt  }
tec
execute0_lowered:
.L_overlay_start_1:
0x0: {  	(tag) =	ssettag $0x1  }
0x1: {  	s4 =	rddreg [dreg:$0x0]  }
0x2: {  	s5 =	rddreg [dreg:$0x1]  }
0x3: {  	s6 =	rddreg [dreg:$0x2]  }
0x4: {  	s2 =	rddreg [dreg:$0x3];
	s7 =	simm.s32 $0x0;
	s1 =	stileid.u32  }
0x5: {  	[smem:$0x7FF] =	sst s7;
	s3 =	sshll.u32 s1, $0x7  }
0x6: {  	s0 =	rddreg [dreg:$0x4];
	_ =	strace $0x80000047;
	s4 =	sadd.s32 s4, s3  }
0x7: {  	[tilespmem:s7], [sflag:$0x1] =	stream.linear.gather [hbm4b:s4+s7], $0x400, $0x38;
	[tilespmem:$0x860] =	vst v63  }
0x8: {  	s8 =	simm.s32 $0x800;
	s24 =	sadd.s32 $0x600, s5  }
0x9: {  	[tilespmem:s8], [sflag:$0x2] =	stream.linear.gather [hbm4b:s24+s7], $0x18, $0x38;
	[tilespmem:$0x860] =	vst v63  }
0xa: {  	s26 =	simm.s32 $0x818;
	s25 =	sadd.s32 $0x800, s5  }
0xb: {  	v0 =	vimm.s32 $0xBA983210;
	[tilespmem:s26], [sflag:$0x2] =	stream.linear.gather [hbm4b:s25+s7], $0x20, $0x38;
	[tilespmem:$0x860] =	vst v63  }
0xc: {  	s28 =	simm.s32 $0x838;
	s29 =	simm.s32 $0x2;
	v0 =	vunpack.c.l.s4.s8 v0  }
0xd: {  	[tilespmem:s28], [sflag:$0x2] =	stream.linear.gather [hbm4b:s6+s7], $0x8, $0x38;
	[tilespmem:$0x860] =	vst v63  }
0xe: {  	v1 =	vimm.s32 $0x13121110;
	v0 =	vunpack.c.0.s8.s32 v0;
	_ =	swait.ge [sflag:s29], $0x18  }
0xf: {  	v1 =	vunpack.c.0.s8.s32 v1;
	[sflag:s29] =	ssyncset.done $0x0  }
0x10: {  	v2 =	vlaneseq.u32;
	v0 =	vand.u32 $0xF, v0;
	[sflag:s29] =	ssyncadd.s32 $0xFFFFFFE8  }
0x11: {  	v0 =	vcombine.low v0, v1;
	v1 =	vand.u32 $0x3, v2;
	_ =	swait.ge [sflag:s29], $0x20  }
0x12: {  	v1 =	vmul.u32 $0x8, v1;
	[sflag:s29] =	ssyncset.done $0x0  }
0x13: {  	[sflag:s29] =	ssyncadd.s32 $0xFFFFFFE0  }
0x14: {  	_ =	swait.ge [sflag:s29], $0x8  }
0x15: {  	[sflag:s29] =	ssyncset.done $0x0  }
0x16: {  	[sflag:s29] =	ssyncadd.s32 $0xFFFFFFF8  }
0x17: {  	v0 =	vld.idx.msk [tilespmem:v0+s8+$0x0], $0xffff  }
0x18: {  	v1 =	vld.idx.msk [tilespmem:v1+s26+$0x0], $0xffff  }
0x19: {  	v2 =	vimm.s32 $0x8080400  }
0x1a: {  	v3 =	vimm.s32 $0x9090501;
	v2 =	vunpack.c.0.s8.s32 v2  }
0x1b: {  	vm1 =	vcmask $0xF00;
	v4 =	vimm.s32 $0xA0A0602;
	v3 =	vunpack.c.0.s8.s32 v3  }
0x1c: {  	vm0 =	vmmov $0xfff;
	v4 =	vunpack.c.0.s8.s32 v4;
	v2 =	vnsel vm1, $0x8, v2  }
0x1d: {  	v3 =	vnsel vm1, $0x9, v3;
	v0 =	vnsel vm0, $0x0, v0;
	v1 =	vnsel vm0, $0x0, v1  }
0x1e: {  	v0 =	vmul.f32 v1, v0;
	v1 =	vimm.s32 $0xB0B0703  }
0x1f: {  	v4 =	vnsel vm1, $0xA, v4;
	v1 =	vunpack.c.0.s8.s32 v1  }
0x20: {  	s30 =	simm.s32 $0x840;
	v5 =	vld.msk [tilespmem:s28+$0x0], $0xffff;
	[tilespmem:$0x840] =	vst v0  }
0x21: {  	v0 =	vnsel vm1, $0xB, v1;
	v1 =	vld.idx.msk [tilespmem:v2+s30+$0x0], $0xffff  }
0x22: {  	v2 =	vld.idx.msk [tilespmem:v3+s30+$0x0], $0xffff;
	_ =	sdelay $0x1  }
0x23: {  	v3 =	vld.idx.msk [tilespmem:v4+s30+$0x0], $0xffff;
	_ =	sdelay $0x1  }
0x24: {  	v0 =	vld.idx.msk [tilespmem:v0+s30+$0x0], $0xffff  }
0x25: {  	v1 =	vadd.f32 v2, v1;
	_ =	sdelay $0x1  }
0x26: {  	v1 =	vadd.f32 v3, v1;
	_ =	sdelay $0x1  }
0x27: {  	v0 =	vadd.f32 v0, v1;
	_ =	sdelay $0x1  }
0x28: {  	v0 =	vadd.f32 v0, v5;
	_ =	sdelay $0x1  }
0x29: {  	v0 =	vsub.f32 $0.0e+00, v0;
	_ =	sdelay $0x1  }
0x2a: {  	v0 =	vmul.f32 $1.442695020e+00, v0;
	_ =	sdelay $0x1  }
0x2b: {  	(erf) = vpow2.f32 v0;
	_ =	sdelay $0x8  }
0x2c: {  	v0 =	vpop (erf)  }
0x2d: {  	v0 =	vadd.f32 $1.000000000e+00, v0;
	_ =	sdelay $0x1  }
0x2e: {  	(erf) = vrcp.f32 v0;
	_ =	sdelay $0x8  }
0x2f: {  	v0 =	vpop (erf)  }
0x30: {  	s31 =	simm.s32 $0x1;
	[tilespmem:$0x850] =	vst v0  }
0x31: {  	_ =	swait.ge [sflag:s31], $0x400  }
0x32: {  	[sflag:s31] =	ssyncset.done $0x0  }
0x33: {  	s4 =	simm.s32 $0x0;
	[sflag:s31] =	ssyncadd.s32 $0xFFFFFC00  }
0x34: {  	v0 =	vld [tilespmem:s4+$0x0];
	_ =	sdelay $0x6  }
0x35: {  	s5 =	simm.s32 $0x850  }
0x36: {  	s6 =	simm.s32 $0x10;
	s7 =	simm.s32 $0x80;
	v0 =	vld.idx.msk [tilespmem:v0+s5+$0x0], $0xffff  }
.LBB2_1:
0x37: {  	p0 =	sne.s32 s7, $0xFC0;
	v1 =	vld [tilespmem:s6+$0x0];
	_ =	sdelay $0x3  }
.Ltmp0:
0x38: {  	(pc) =	sbr.rel @p0 .LBB2_1-.Ltmp0, $2  }
0x39: {  	[tilespmem:s4+$0x400] =	vst v0;
	s4 =	smov.u32 s6;
	_ =	sdelay $0x2  }
0x3a: {  	s6 =	sshra.s32 s7, $0x2;
	s7 =	sadd.s32 $0x40, s7;
	v0 =	vld.idx.msk [tilespmem:v1+s5+$0x0], $0xffff  }
0x3b: {  	v1 =	vld [tilespmem:s6+$0x0];
	_ =	sdelay $0x6  }
0x3c: {  	[tilespmem:s4+$0x400] =	vst v0  }
0x3d: {  	v0 =	vld.idx.msk [tilespmem:v1+s5+$0x0], $0xffff;
	_ =	sdelay $0x3  }
0x3e: {  	s2 =	sadd.s32 s2, s3  }
0x3f: {  	s29 =	simm.s32 $0x0;
	s30 =	simm.s32 $0x400;
	s31 =	simm.s32 $0x3;
	[tilespmem:s6+$0x400] =	vst v0  }
0x40: {  	[hbm4b:s2+s29] =	stream.linear.scatter [tilespmem:s30], [sflag:$0x3], $0x400, $0x38;
	[tilespmem:$0x860] =	vst v63  }
0x41: {  	_ =	swait.ge [sflag:s31], $0x400  }
0x42: {  	[sflag:s31] =	ssyncset.done $0x0  }
0x43: {  	[sflag:s31] =	ssyncadd.s32 $0xFFFFFC00  }
0x44: {  	_ =	sfence.sel $0x180000  }
0x45: {  	[bflag:$0x0] =	sbarrier.arrive $0xFFFF  }
0x46: {  	p0 =	sne.s32 s1, $0x0;
	_ =	strace $0x90000047  }
0x47: {  	s0 =	sadd.s32 @!p0 $0x100000, s0;
	[bflag:$0x2] =	sbarrier.arrive $0xFFFF  }
0x48: {  	[sflag:s0] =	ssyncadd.tile.s32 @!p0 $0x1;
	_ =	shalt  }
.Lfunc_end2:
_tile_overlayer_lowered:
.L_overlay_start_2:
0x49: {  	(tag) =	ssettag $0x2  }
0x4a: {  	s0 =	rddreg [dreg:$0x0];
	s2 =	stileid.u32  }
0x4b: {  	s1 =	rddreg [dreg:$0x1];
	p0 =	sne.s32 s2, $0x0  }
0x4c: {  	s3 =	rddreg [dreg:$0x2];
	[bflag:$0x3] =	sbarrier.arrive $0xFFFF;
	s2 =	simm.s32 @!p0 $0x1C03  }
0x4d: {  	[timem:s3], [sflag:s2] =	dma.local @!p0 [hbm:s0], s1  }
0x4e: {  	s0 =	simm.s32 @!p0 $0x3  }
0x4f: {  	_ =	swait.ge @!p0 [sflag:s0], s1  }
0x50: {  	s1 =	ssub.s32 @!p0 $0x0, s1;
	[sflag:s0] =	ssyncset.done @!p0 $0x0  }
0x51: {  	[sflag:s0] =	ssyncadd.s32 @!p0 s1  }
0x52: {  	[bflag:$0x3] =	sbarrier.arrive $0xFFFF  }
0x53: {  	_ =	shalt  }

</sc_bundles>
